<compile_context>
chip_gen: v7x
topology: tpu7x:2x2x1
jax: 0.10.2.dev20260603
libtpu: 0.0.44.dev20260713+nightly
codegen_flags: <defaults>
</compile_context>

<pallas_src>
import functools

import jax
import jax.numpy as jnp
from jax import lax
from jax.experimental import pallas as pl
from jax.experimental.pallas import tpu as pltpu
from jax.experimental.pallas import tpu_sc as plsc

_NUM_CLASSES = 10
_B = 16384
_NC, _NS, _L = 1, 16, 16
_NW = _NC * _NS
_BPW = _B // _NW
_CHUNKS = _BPW // _L


@functools.partial(
    pl.kernel,
    out_type=jax.ShapeDtypeStruct((_NUM_CLASSES, _B), jnp.float32),
    mesh=plsc.VectorSubcoreMesh(
        core_axis_name="c", subcore_axis_name="s", num_cores=_NC
    ),
    scratch_types=[
        pltpu.VMEM((_BPW,), jnp.int32),
        pltpu.VMEM((_NUM_CLASSES, _BPW), jnp.float32),
        pltpu.SemaphoreType.DMA,
    ],
    compiler_params=pltpu.CompilerParams(
        needs_layout_passes=False, use_tc_tiling_on_sc=True
    ),
)
def _onehot_t_sc(labels_hbm, out_hbm, lab_v, out_v, sem):
    wid = lax.axis_index("s") * _NC + lax.axis_index("c")
    base = wid * _BPW
    half = _BPW // 2
    pltpu.sync_copy(labels_hbm.at[pl.ds(base, _BPW)], lab_v)

    ones = jnp.ones((_L,), jnp.float32)
    zeros = jnp.zeros((_L,), jnp.float32)

    @plsc.parallel_loop(0, _CHUNKS // 2, unroll=2)
    def _chunk_lo(i):
        lab = lab_v[pl.ds(i * _L, _L)]
        for j in range(_NUM_CLASSES):
            out_v[j, pl.ds(i * _L, _L)] = jnp.where(lab == j, ones, zeros)

    cp_lo = pltpu.make_async_copy(
        out_v.at[:, pl.ds(0, half)], out_hbm.at[:, pl.ds(base, half)], sem
    )
    cp_lo.start()

    @plsc.parallel_loop(_CHUNKS // 2, _CHUNKS, unroll=2)
    def _chunk_hi(i):
        lab = lab_v[pl.ds(i * _L, _L)]
        for j in range(_NUM_CLASSES):
            out_v[j, pl.ds(i * _L, _L)] = jnp.where(lab == j, ones, zeros)

    cp_hi = pltpu.make_async_copy(
        out_v.at[:, pl.ds(half, half)], out_hbm.at[:, pl.ds(base + half, half)], sem
    )
    cp_hi.start()
    cp_lo.wait()
    cp_hi.wait()


def kernel(images, labels):
    del images
    return _onehot_t_sc(labels).T

# --- scband reference (transcript-rebuilt; emitter-appended) ---
"""Pipeline reference for scband-cf10-embedding-provider-15444702397154 (READ-ONLY COPY).

The authoritative reference and input builder live on the scoring server;
editing this copy changes nothing except your own understanding.
"""

import jax, jax.numpy as jnp
import numpy as np

NUM_CLASSES = 10

def setup_inputs(seed: int = 0) -> dict:
    key = jax.random.key(seed)
    k1, k2 = jax.random.split(key)
    images = jax.random.normal(k1, (16384, 3, 32, 32), dtype=jnp.float32)
    labels = jax.random.randint(k2, (16384,), 0, NUM_CLASSES, dtype=jnp.int32)
    return {"images": images, "labels": labels}

def reference(images, labels):
    # Faithful translation: labels are already integer class indices
    # (original module maps string class names -> indices; here classes=[0..9]
    # so the index lookup is the identity). One-hot encode to float.
    # Implemented as a row-gather from an identity table (embedding lookup).
    table = jnp.eye(NUM_CLASSES, dtype=jnp.float32)
    onehot = jnp.take(table, labels, axis=0)
    return onehot

if __name__ == "__main__":
    import jax
    _d = setup_inputs()
    print(jax.jit(kernel)(*tuple(_d.values())))

</pallas_src>

<mosaic_0001>
#map = affine_map<(d0, d1) -> (0)>
#map1 = affine_map<(d0, d1) -> (0, 0)>
module attributes {stable_mosaic.version = 14 : i64} {
  func.func @_onehot_t_sc(%arg0: i32, %arg1: i32, %arg2: memref<16384xi32, #tpu.memory_space<hbm>>, %arg3: memref<10x16384xf32, #tpu.memory_space<hbm>>, %arg4: memref<1024xi32, #tpu.memory_space<vmem>>, %arg5: memref<10x1024xf32, #tpu.memory_space<vmem>>, %arg6: memref<!tpu.dma_semaphore, #tpu.memory_space<semaphore_mem>>) attributes {dimension_semantics = [#tpu.dimension_semantics<core_parallel>, #tpu.dimension_semantics<subcore_parallel>], iteration_bounds = array<i64: 1, 16>, scalar_prefetch = 0 : i64, scratch_operands = 3 : i64, tpu.core_type = #tpu.core_type<sc_vector_subcore>, window_params = [{transform_indices = #map}, {transform_indices = #map1}]} {
    %mul3A = arith.constant 1 : i32
    %mul3A_0 = arith.muli %arg1, %mul3A : i32
    %add3A = arith.addi %mul3A_0, %arg0 : i32
    %mul3A_1 = arith.constant 1024 : i32
    %mul3A_2 = arith.muli %add3A, %mul3A_1 : i32
    "tpu.region"() ({
      %run_scoped3A = tpu.sem_alloc : memref<!tpu.dma_semaphore, #tpu.memory_space<semaphore_mem>>
      %dma_start3A_51 = tpu.memref_slice %arg2[%mul3A_2] : memref<16384xi32, #tpu.memory_space<hbm>> -> memref<1024xi32, #tpu.memory_space<hbm>>
      %dma_start3A_52 = tpu.memref_slice %arg2[%mul3A_2] : memref<16384xi32, #tpu.memory_space<hbm>> -> memref<1024xi32, #tpu.memory_space<hbm>>
      tpu.enqueue_dma source(%dma_start3A_52 : memref<1024xi32, #tpu.memory_space<hbm>>) target(%arg4 : memref<1024xi32, #tpu.memory_space<vmem>>) target_semaphore(%run_scoped3A : memref<!tpu.dma_semaphore, #tpu.memory_space<semaphore_mem>>)
      %dma_wait3A_53 = tpu.memref_slice %arg2[%mul3A_2] : memref<16384xi32, #tpu.memory_space<hbm>> -> memref<1024xi32, #tpu.memory_space<hbm>>
      %dma_wait3A_54 = tpu.memref_slice %arg2[%mul3A_2] : memref<16384xi32, #tpu.memory_space<hbm>> -> memref<1024xi32, #tpu.memory_space<hbm>>
      tpu.wait_dma2 semaphore(%run_scoped3A : memref<!tpu.dma_semaphore, #tpu.memory_space<semaphore_mem>>) src(%dma_wait3A_54 : memref<1024xi32, #tpu.memory_space<hbm>>) dst(%arg4 : memref<1024xi32, #tpu.memory_space<vmem>>)
      tpu.yield
    }) : () -> ()
    %broadcast_in_dim3A = arith.constant 1.000000e+00 : f32
    %broadcast_in_dim3A_3 = vector.broadcast %broadcast_in_dim3A : f32 to vector<16xf32>
    %broadcast_in_dim3A_4 = arith.constant 0.000000e+00 : f32
    %broadcast_in_dim3A_5 = vector.broadcast %broadcast_in_dim3A_4 : f32 to vector<16xf32>
    %parallel_loop3A = arith.constant 0 : i32
    %parallel_loop3A_6 = arith.constant 32 : i32
    %parallel_loop3A_7 = arith.constant 1 : i32
    scf.for %parallel_loop3A_51 = %parallel_loop3A to %parallel_loop3A_6 step %parallel_loop3A_7  : i32 {
      %parallel_loop3A_52 = arith.constant 16 : i32
      %parallel_loop3A_53 = arith.muli %parallel_loop3A_51, %parallel_loop3A_52 : i32
      %parallel_loop3A_54 = arith.index_cast %parallel_loop3A_53 : i32 to index
      %parallel_loop3A_55 = tpu.vector_load %arg4[%parallel_loop3A_54] {strides = array<i32>} : memref<1024xi32, #tpu.memory_space<vmem>>, vector<16xi32>,
      %parallel_loop3A_56 = arith.constant 0 : i32
      %parallel_loop3A_57 = vector.broadcast %parallel_loop3A_56 : i32 to vector<16xi32>
      %parallel_loop3A_58 = arith.cmpi eq, %parallel_loop3A_55, %parallel_loop3A_57 : vector<16xi32>
      %parallel_loop3A_59 = arith.select %parallel_loop3A_58, %broadcast_in_dim3A_3, %broadcast_in_dim3A_5 : vector<16xi1>, vector<16xf32>
      %parallel_loop3A_60 = arith.constant 16 : i32
      %parallel_loop3A_61 = arith.muli %parallel_loop3A_51, %parallel_loop3A_60 : i32
      %parallel_loop3A_62 = arith.constant 0 : i32
      %parallel_loop3A_63 = arith.index_cast %parallel_loop3A_62 : i32 to index
      %parallel_loop3A_64 = arith.index_cast %parallel_loop3A_61 : i32 to index
      %parallel_loop3A_65 = tpu.vector_load %arg5[%parallel_loop3A_63, %parallel_loop3A_64] {strides = array<i32>} : memref<10x1024xf32, #tpu.memory_space<vmem>>, vector<16xf32>,
      tpu.vector_store %arg5[%parallel_loop3A_63, %parallel_loop3A_64], %parallel_loop3A_59 {strides = array<i32>} : memref<10x1024xf32, #tpu.memory_space<vmem>>, vector<16xf32>,
      %parallel_loop3A_66 = arith.constant 1 : i32
      %parallel_loop3A_67 = vector.broadcast %parallel_loop3A_66 : i32 to vector<16xi32>
      %parallel_loop3A_68 = arith.cmpi eq, %parallel_loop3A_55, %parallel_loop3A_67 : vector<16xi32>
      %parallel_loop3A_69 = arith.select %parallel_loop3A_68, %broadcast_in_dim3A_3, %broadcast_in_dim3A_5 : vector<16xi1>, vector<16xf32>
      %parallel_loop3A_70 = arith.constant 16 : i32
      %parallel_loop3A_71 = arith.muli %parallel_loop3A_51, %parallel_loop3A_70 : i32
      %parallel_loop3A_72 = arith.constant 1 : i32
      %parallel_loop3A_73 = arith.index_cast %parallel_loop3A_72 : i32 to index
      %parallel_loop3A_74 = arith.index_cast %parallel_loop3A_71 : i32 to index
      %parallel_loop3A_75 = tpu.vector_load %arg5[%parallel_loop3A_73, %parallel_loop3A_74] {strides = array<i32>} : memref<10x1024xf32, #tpu.memory_space<vmem>>, vector<16xf32>,
      tpu.vector_store %arg5[%parallel_loop3A_73, %parallel_loop3A_74], %parallel_loop3A_69 {strides = array<i32>} : memref<10x1024xf32, #tpu.memory_space<vmem>>, vector<16xf32>,
      %parallel_loop3A_76 = arith.constant 2 : i32
      %parallel_loop3A_77 = vector.broadcast %parallel_loop3A_76 : i32 to vector<16xi32>
      %parallel_loop3A_78 = arith.cmpi eq, %parallel_loop3A_55, %parallel_loop3A_77 : vector<16xi32>
      %parallel_loop3A_79 = arith.select %parallel_loop3A_78, %broadcast_in_dim3A_3, %broadcast_in_dim3A_5 : vector<16xi1>, vector<16xf32>
      %parallel_loop3A_80 = arith.constant 16 : i32
      %parallel_loop3A_81 = arith.muli %parallel_loop3A_51, %parallel_loop3A_80 : i32
      %parallel_loop3A_82 = arith.constant 2 : i32
      %parallel_loop3A_83 = arith.index_cast %parallel_loop3A_82 : i32 to index
      %parallel_loop3A_84 = arith.index_cast %parallel_loop3A_81 : i32 to index
      %parallel_loop3A_85 = tpu.vector_load %arg5[%parallel_loop3A_83, %parallel_loop3A_84] {strides = array<i32>} : memref<10x1024xf32, #tpu.memory_space<vmem>>, vector<16xf32>,
      tpu.vector_store %arg5[%parallel_loop3A_83, %parallel_loop3A_84], %parallel_loop3A_79 {strides = array<i32>} : memref<10x1024xf32, #tpu.memory_space<vmem>>, vector<16xf32>,
      %parallel_loop3A_86 = arith.constant 3 : i32
      %parallel_loop3A_87 = vector.broadcast %parallel_loop3A_86 : i32 to vector<16xi32>
      %parallel_loop3A_88 = arith.cmpi eq, %parallel_loop3A_55, %parallel_loop3A_87 : vector<16xi32>
      %parallel_loop3A_89 = arith.select %parallel_loop3A_88, %broadcast_in_dim3A_3, %broadcast_in_dim3A_5 : vector<16xi1>, vector<16xf32>
      %parallel_loop3A_90 = arith.constant 16 : i32
      %parallel_loop3A_91 = arith.muli %parallel_loop3A_51, %parallel_loop3A_90 : i32
      %parallel_loop3A_92 = arith.constant 3 : i32
      %parallel_loop3A_93 = arith.index_cast %parallel_loop3A_92 : i32 to index
      %parallel_loop3A_94 = arith.index_cast %parallel_loop3A_91 : i32 to index
      %parallel_loop3A_95 = tpu.vector_load %arg5[%parallel_loop3A_93, %parallel_loop3A_94] {strides = array<i32>} : memref<10x1024xf32, #tpu.memory_space<vmem>>, vector<16xf32>,
      tpu.vector_store %arg5[%parallel_loop3A_93, %parallel_loop3A_94], %parallel_loop3A_89 {strides = array<i32>} : memref<10x1024xf32, #tpu.memory_space<vmem>>, vector<16xf32>,
      %parallel_loop3A_96 = arith.constant 4 : i32
      %parallel_loop3A_97 = vector.broadcast %parallel_loop3A_96 : i32 to vector<16xi32>
      %parallel_loop3A_98 = arith.cmpi eq, %parallel_loop3A_55, %parallel_loop3A_97 : vector<16xi32>
      %parallel_loop3A_99 = arith.select %parallel_loop3A_98, %broadcast_in_dim3A_3, %broadcast_in_dim3A_5 : vector<16xi1>, vector<16xf32>
      %parallel_loop3A_100 = arith.constant 16 : i32
      %parallel_loop3A_101 = arith.muli %parallel_loop3A_51, %parallel_loop3A_100 : i32
      %parallel_loop3A_102 = arith.constant 4 : i32
      %parallel_loop3A_103 = arith.index_cast %parallel_loop3A_102 : i32 to index
      %parallel_loop3A_104 = arith.index_cast %parallel_loop3A_101 : i32 to index
      %parallel_loop3A_105 = tpu.vector_load %arg5[%parallel_loop3A_103, %parallel_loop3A_104] {strides = array<i32>} : memref<10x1024xf32, #tpu.memory_space<vmem>>, vector<16xf32>,
      tpu.vector_store %arg5[%parallel_loop3A_103, %parallel_loop3A_104], %parallel_loop3A_99 {strides = array<i32>} : memref<10x1024xf32, #tpu.memory_space<vmem>>, vector<16xf32>,
      %parallel_loop3A_106 = arith.constant 5 : i32
      %parallel_loop3A_107 = vector.broadcast %parallel_loop3A_106 : i32 to vector<16xi32>
      %parallel_loop3A_108 = arith.cmpi eq, %parallel_loop3A_55, %parallel_loop3A_107 : vector<16xi32>
      %parallel_loop3A_109 = arith.select %parallel_loop3A_108, %broadcast_in_dim3A_3, %broadcast_in_dim3A_5 : vector<16xi1>, vector<16xf32>
      %parallel_loop3A_110 = arith.constant 16 : i32
      %parallel_loop3A_111 = arith.muli %parallel_loop3A_51, %parallel_loop3A_110 : i32
      %parallel_loop3A_112 = arith.constant 5 : i32
      %parallel_loop3A_113 = arith.index_cast %parallel_loop3A_112 : i32 to index
      %parallel_loop3A_114 = arith.index_cast %parallel_loop3A_111 : i32 to index
      %parallel_loop3A_115 = tpu.vector_load %arg5[%parallel_loop3A_113, %parallel_loop3A_114] {strides = array<i32>} : memref<10x1024xf32, #tpu.memory_space<vmem>>, vector<16xf32>,
      tpu.vector_store %arg5[%parallel_loop3A_113, %parallel_loop3A_114], %parallel_loop3A_109 {strides = array<i32>} : memref<10x1024xf32, #tpu.memory_space<vmem>>, vector<16xf32>,
      %parallel_loop3A_116 = arith.constant 6 : i32
      %parallel_loop3A_117 = vector.broadcast %parallel_loop3A_116 : i32 to vector<16xi32>
      %parallel_loop3A_118 = arith.cmpi eq, %parallel_loop3A_55, %parallel_loop3A_117 : vector<16xi32>
      %parallel_loop3A_119 = arith.select %parallel_loop3A_118, %broadcast_in_dim3A_3, %broadcast_in_dim3A_5 : vector<16xi1>, vector<16xf32>
      %parallel_loop3A_120 = arith.constant 16 : i32
      %parallel_loop3A_121 = arith.muli %parallel_loop3A_51, %parallel_loop3A_120 : i32
      %parallel_loop3A_122 = arith.constant 6 : i32
      %parallel_loop3A_123 = arith.index_cast %parallel_loop3A_122 : i32 to index
      %parallel_loop3A_124 = arith.index_cast %parallel_loop3A_121 : i32 to index
      %parallel_loop3A_125 = tpu.vector_load %arg5[%parallel_loop3A_123, %parallel_loop3A_124] {strides = array<i32>} : memref<10x1024xf32, #tpu.memory_space<vmem>>, vector<16xf32>,
      tpu.vector_store %arg5[%parallel_loop3A_123, %parallel_loop3A_124], %parallel_loop3A_119 {strides = array<i32>} : memref<10x1024xf32, #tpu.memory_space<vmem>>, vector<16xf32>,
      %parallel_loop3A_126 = arith.constant 7 : i32
      %parallel_loop3A_127 = vector.broadcast %parallel_loop3A_126 : i32 to vector<16xi32>
      %parallel_loop3A_128 = arith.cmpi eq, %parallel_loop3A_55, %parallel_loop3A_127 : vector<16xi32>
      %parallel_loop3A_129 = arith.select %parallel_loop3A_128, %broadcast_in_dim3A_3, %broadcast_in_dim3A_5 : vector<16xi1>, vector<16xf32>
      %parallel_loop3A_130 = arith.constant 16 : i32
      %parallel_loop3A_131 = arith.muli %parallel_loop3A_51, %parallel_loop3A_130 : i32
      %parallel_loop3A_132 = arith.constant 7 : i32
      %parallel_loop3A_133 = arith.index_cast %parallel_loop3A_132 : i32 to index
      %parallel_loop3A_134 = arith.index_cast %parallel_loop3A_131 : i32 to index
      %parallel_loop3A_135 = tpu.vector_load %arg5[%parallel_loop3A_133, %parallel_loop3A_134] {strides = array<i32>} : memref<10x1024xf32, #tpu.memory_space<vmem>>, vector<16xf32>,
      tpu.vector_store %arg5[%parallel_loop3A_133, %parallel_loop3A_134], %parallel_loop3A_129 {strides = array<i32>} : memref<10x1024xf32, #tpu.memory_space<vmem>>, vector<16xf32>,
      %parallel_loop3A_136 = arith.constant 8 : i32
      %parallel_loop3A_137 = vector.broadcast %parallel_loop3A_136 : i32 to vector<16xi32>
      %parallel_loop3A_138 = arith.cmpi eq, %parallel_loop3A_55, %parallel_loop3A_137 : vector<16xi32>
      %parallel_loop3A_139 = arith.select %parallel_loop3A_138, %broadcast_in_dim3A_3, %broadcast_in_dim3A_5 : vector<16xi1>, vector<16xf32>
      %parallel_loop3A_140 = arith.constant 16 : i32
      %parallel_loop3A_141 = arith.muli %parallel_loop3A_51, %parallel_loop3A_140 : i32
      %parallel_loop3A_142 = arith.constant 8 : i32
      %parallel_loop3A_143 = arith.index_cast %parallel_loop3A_142 : i32 to index
      %parallel_loop3A_144 = arith.index_cast %parallel_loop3A_141 : i32 to index
      %parallel_loop3A_145 = tpu.vector_load %arg5[%parallel_loop3A_143, %parallel_loop3A_144] {strides = array<i32>} : memref<10x1024xf32, #tpu.memory_space<vmem>>, vector<16xf32>,
      tpu.vector_store %arg5[%parallel_loop3A_143, %parallel_loop3A_144], %parallel_loop3A_139 {strides = array<i32>} : memref<10x1024xf32, #tpu.memory_space<vmem>>, vector<16xf32>,
      %parallel_loop3A_146 = arith.constant 9 : i32
      %parallel_loop3A_147 = vector.broadcast %parallel_loop3A_146 : i32 to vector<16xi32>
      %parallel_loop3A_148 = arith.cmpi eq, %parallel_loop3A_55, %parallel_loop3A_147 : vector<16xi32>
      %parallel_loop3A_149 = arith.select %parallel_loop3A_148, %broadcast_in_dim3A_3, %broadcast_in_dim3A_5 : vector<16xi1>, vector<16xf32>
      %parallel_loop3A_150 = arith.constant 16 : i32
      %parallel_loop3A_151 = arith.muli %parallel_loop3A_51, %parallel_loop3A_150 : i32
      %parallel_loop3A_152 = arith.constant 9 : i32
      %parallel_loop3A_153 = arith.index_cast %parallel_loop3A_152 : i32 to index
      %parallel_loop3A_154 = arith.index_cast %parallel_loop3A_151 : i32 to index
      %parallel_loop3A_155 = tpu.vector_load %arg5[%parallel_loop3A_153, %parallel_loop3A_154] {strides = array<i32>} : memref<10x1024xf32, #tpu.memory_space<vmem>>, vector<16xf32>,
      tpu.vector_store %arg5[%parallel_loop3A_153, %parallel_loop3A_154], %parallel_loop3A_149 {strides = array<i32>} : memref<10x1024xf32, #tpu.memory_space<vmem>>, vector<16xf32>,
    } {sc.loop_unroll_factor = 2 : i64, sc.parallel_access}
    %dma_start3A = arith.constant 0 : i32
    %dma_start3A_8 = arith.constant 0 : i32
    %dma_start3A_9 = tpu.memref_slice %arg5[%dma_start3A, %dma_start3A_8] : memref<10x1024xf32, #tpu.memory_space<vmem>> -> memref<10x512xf32, #tpu.memory_space<vmem>>
    %dma_start3A_10 = arith.constant 0 : i32
    %dma_start3A_11 = tpu.memref_slice %arg3[%dma_start3A_10, %mul3A_2] : memref<10x16384xf32, #tpu.memory_space<hbm>> -> memref<10x512xf32, #tpu.memory_space<hbm>>
    %dma_start3A_12 = arith.constant 0 : i32
    %dma_start3A_13 = tpu.memref_slice %arg3[%dma_start3A_12, %mul3A_2] : memref<10x16384xf32, #tpu.memory_space<hbm>> -> memref<10x512xf32, #tpu.memory_space<hbm>>
    %dma_start3A_14 = arith.constant 0 : i32
    %dma_start3A_15 = arith.constant 0 : i32
    %dma_start3A_16 = tpu.memref_slice %arg5[%dma_start3A_14, %dma_start3A_15] : memref<10x1024xf32, #tpu.memory_space<vmem>> -> memref<10x512xf32, #tpu.memory_space<vmem>>
    tpu.enqueue_dma source(%dma_start3A_16 : memref<10x512xf32, #tpu.memory_space<vmem>>) target(%dma_start3A_13 : memref<10x512xf32, #tpu.memory_space<hbm>>) target_semaphore(%arg6 : memref<!tpu.dma_semaphore, #tpu.memory_space<semaphore_mem>>)
    %parallel_loop3A_17 = arith.constant 32 : i32
    %parallel_loop3A_18 = arith.constant 64 : i32
    %parallel_loop3A_19 = arith.constant 1 : i32
    scf.for %parallel_loop3A_51 = %parallel_loop3A_17 to %parallel_loop3A_18 step %parallel_loop3A_19  : i32 {
      %parallel_loop3A_52 = arith.constant 16 : i32
      %parallel_loop3A_53 = arith.muli %parallel_loop3A_51, %parallel_loop3A_52 : i32
      %parallel_loop3A_54 = arith.index_cast %parallel_loop3A_53 : i32 to index
      %parallel_loop3A_55 = tpu.vector_load %arg4[%parallel_loop3A_54] {strides = array<i32>} : memref<1024xi32, #tpu.memory_space<vmem>>, vector<16xi32>,
      %parallel_loop3A_56 = arith.constant 0 : i32
      %parallel_loop3A_57 = vector.broadcast %parallel_loop3A_56 : i32 to vector<16xi32>
      %parallel_loop3A_58 = arith.cmpi eq, %parallel_loop3A_55, %parallel_loop3A_57 : vector<16xi32>
      %parallel_loop3A_59 = arith.select %parallel_loop3A_58, %broadcast_in_dim3A_3, %broadcast_in_dim3A_5 : vector<16xi1>, vector<16xf32>
      %parallel_loop3A_60 = arith.constant 16 : i32
      %parallel_loop3A_61 = arith.muli %parallel_loop3A_51, %parallel_loop3A_60 : i32
      %parallel_loop3A_62 = arith.constant 0 : i32
      %parallel_loop3A_63 = arith.index_cast %parallel_loop3A_62 : i32 to index
      %parallel_loop3A_64 = arith.index_cast %parallel_loop3A_61 : i32 to index
      %parallel_loop3A_65 = tpu.vector_load %arg5[%parallel_loop3A_63, %parallel_loop3A_64] {strides = array<i32>} : memref<10x1024xf32, #tpu.memory_space<vmem>>, vector<16xf32>,
      tpu.vector_store %arg5[%parallel_loop3A_63, %parallel_loop3A_64], %parallel_loop3A_59 {strides = array<i32>} : memref<10x1024xf32, #tpu.memory_space<vmem>>, vector<16xf32>,
      %parallel_loop3A_66 = arith.constant 1 : i32
      %parallel_loop3A_67 = vector.broadcast %parallel_loop3A_66 : i32 to vector<16xi32>
      %parallel_loop3A_68 = arith.cmpi eq, %parallel_loop3A_55, %parallel_loop3A_67 : vector<16xi32>
      %parallel_loop3A_69 = arith.select %parallel_loop3A_68, %broadcast_in_dim3A_3, %broadcast_in_dim3A_5 : vector<16xi1>, vector<16xf32>
      %parallel_loop3A_70 = arith.constant 16 : i32
      %parallel_loop3A_71 = arith.muli %parallel_loop3A_51, %parallel_loop3A_70 : i32
      %parallel_loop3A_72 = arith.constant 1 : i32
      %parallel_loop3A_73 = arith.index_cast %parallel_loop3A_72 : i32 to index
      %parallel_loop3A_74 = arith.index_cast %parallel_loop3A_71 : i32 to index
      %parallel_loop3A_75 = tpu.vector_load %arg5[%parallel_loop3A_73, %parallel_loop3A_74] {strides = array<i32>} : memref<10x1024xf32, #tpu.memory_space<vmem>>, vector<16xf32>,
      tpu.vector_store %arg5[%parallel_loop3A_73, %parallel_loop3A_74], %parallel_loop3A_69 {strides = array<i32>} : memref<10x1024xf32, #tpu.memory_space<vmem>>, vector<16xf32>,
      %parallel_loop3A_76 = arith.constant 2 : i32
      %parallel_loop3A_77 = vector.broadcast %parallel_loop3A_76 : i32 to vector<16xi32>
      %parallel_loop3A_78 = arith.cmpi eq, %parallel_loop3A_55, %parallel_loop3A_77 : vector<16xi32>
      %parallel_loop3A_79 = arith.select %parallel_loop3A_78, %broadcast_in_dim3A_3, %broadcast_in_dim3A_5 : vector<16xi1>, vector<16xf32>
      %parallel_loop3A_80 = arith.constant 16 : i32
      %parallel_loop3A_81 = arith.muli %parallel_loop3A_51, %parallel_loop3A_80 : i32
      %parallel_loop3A_82 = arith.constant 2 : i32
      %parallel_loop3A_83 = arith.index_cast %parallel_loop3A_82 : i32 to index
      %parallel_loop3A_84 = arith.index_cast %parallel_loop3A_81 : i32 to index
      %parallel_loop3A_85 = tpu.vector_load %arg5[%parallel_loop3A_83, %parallel_loop3A_84] {strides = array<i32>} : memref<10x1024xf32, #tpu.memory_space<vmem>>, vector<16xf32>,
      tpu.vector_store %arg5[%parallel_loop3A_83, %parallel_loop3A_84], %parallel_loop3A_79 {strides = array<i32>} : memref<10x1024xf32, #tpu.memory_space<vmem>>, vector<16xf32>,
      %parallel_loop3A_86 = arith.constant 3 : i32
      %parallel_loop3A_87 = vector.broadcast %parallel_loop3A_86 : i32 to vector<16xi32>
      %parallel_loop3A_88 = arith.cmpi eq, %parallel_loop3A_55, %parallel_loop3A_87 : vector<16xi32>
      %parallel_loop3A_89 = arith.select %parallel_loop3A_88, %broadcast_in_dim3A_3, %broadcast_in_dim3A_5 : vector<16xi1>, vector<16xf32>
      %parallel_loop3A_90 = arith.constant 16 : i32
      %parallel_loop3A_91 = arith.muli %parallel_loop3A_51, %parallel_loop3A_90 : i32
      %parallel_loop3A_92 = arith.constant 3 : i32
      %parallel_loop3A_93 = arith.index_cast %parallel_loop3A_92 : i32 to index
      %parallel_loop3A_94 = arith.index_cast %parallel_loop3A_91 : i32 to index
      %parallel_loop3A_95 = tpu.vector_load %arg5[%parallel_loop3A_93, %parallel_loop3A_94] {strides = array<i32>} : memref<10x1024xf32, #tpu.memory_space<vmem>>, vector<16xf32>,
      tpu.vector_store %arg5[%parallel_loop3A_93, %parallel_loop3A_94], %parallel_loop3A_89 {strides = array<i32>} : memref<10x1024xf32, #tpu.memory_space<vmem>>, vector<16xf32>,
      %parallel_loop3A_96 = arith.constant 4 : i32
      %parallel_loop3A_97 = vector.broadcast %parallel_loop3A_96 : i32 to vector<16xi32>
      %parallel_loop3A_98 = arith.cmpi eq, %parallel_loop3A_55, %parallel_loop3A_97 : vector<16xi32>
      %parallel_loop3A_99 = arith.select %parallel_loop3A_98, %broadcast_in_dim3A_3, %broadcast_in_dim3A_5 : vector<16xi1>, vector<16xf32>
      %parallel_loop3A_100 = arith.constant 16 : i32
      %parallel_loop3A_101 = arith.muli %parallel_loop3A_51, %parallel_loop3A_100 : i32
      %parallel_loop3A_102 = arith.constant 4 : i32
      %parallel_loop3A_103 = arith.index_cast %parallel_loop3A_102 : i32 to index
      %parallel_loop3A_104 = arith.index_cast %parallel_loop3A_101 : i32 to index
      %parallel_loop3A_105 = tpu.vector_load %arg5[%parallel_loop3A_103, %parallel_loop3A_104] {strides = array<i32>} : memref<10x1024xf32, #tpu.memory_space<vmem>>, vector<16xf32>,
      tpu.vector_store %arg5[%parallel_loop3A_103, %parallel_loop3A_104], %parallel_loop3A_99 {strides = array<i32>} : memref<10x1024xf32, #tpu.memory_space<vmem>>, vector<16xf32>,
      %parallel_loop3A_106 = arith.constant 5 : i32
      %parallel_loop3A_107 = vector.broadcast %parallel_loop3A_106 : i32 to vector<16xi32>
      %parallel_loop3A_108 = arith.cmpi eq, %parallel_loop3A_55, %parallel_loop3A_107 : vector<16xi32>
      %parallel_loop3A_109 = arith.select %parallel_loop3A_108, %broadcast_in_dim3A_3, %broadcast_in_dim3A_5 : vector<16xi1>, vector<16xf32>
      %parallel_loop3A_110 = arith.constant 16 : i32
      %parallel_loop3A_111 = arith.muli %parallel_loop3A_51, %parallel_loop3A_110 : i32
      %parallel_loop3A_112 = arith.constant 5 : i32
      %parallel_loop3A_113 = arith.index_cast %parallel_loop3A_112 : i32 to index
      %parallel_loop3A_114 = arith.index_cast %parallel_loop3A_111 : i32 to index
      %parallel_loop3A_115 = tpu.vector_load %arg5[%parallel_loop3A_113, %parallel_loop3A_114] {strides = array<i32>} : memref<10x1024xf32, #tpu.memory_space<vmem>>, vector<16xf32>,
      tpu.vector_store %arg5[%parallel_loop3A_113, %parallel_loop3A_114], %parallel_loop3A_109 {strides = array<i32>} : memref<10x1024xf32, #tpu.memory_space<vmem>>, vector<16xf32>,
      %parallel_loop3A_116 = arith.constant 6 : i32
      %parallel_loop3A_117 = vector.broadcast %parallel_loop3A_116 : i32 to vector<16xi32>
      %parallel_loop3A_118 = arith.cmpi eq, %parallel_loop3A_55, %parallel_loop3A_117 : vector<16xi32>
      %parallel_loop3A_119 = arith.select %parallel_loop3A_118, %broadcast_in_dim3A_3, %broadcast_in_dim3A_5 : vector<16xi1>, vector<16xf32>
      %parallel_loop3A_120 = arith.constant 16 : i32
      %parallel_loop3A_121 = arith.muli %parallel_loop3A_51, %parallel_loop3A_120 : i32
      %parallel_loop3A_122 = arith.constant 6 : i32
      %parallel_loop3A_123 = arith.index_cast %parallel_loop3A_122 : i32 to index
      %parallel_loop3A_124 = arith.index_cast %parallel_loop3A_121 : i32 to index
      %parallel_loop3A_125 = tpu.vector_load %arg5[%parallel_loop3A_123, %parallel_loop3A_124] {strides = array<i32>} : memref<10x1024xf32, #tpu.memory_space<vmem>>, vector<16xf32>,
      tpu.vector_store %arg5[%parallel_loop3A_123, %parallel_loop3A_124], %parallel_loop3A_119 {strides = array<i32>} : memref<10x1024xf32, #tpu.memory_space<vmem>>, vector<16xf32>,
      %parallel_loop3A_126 = arith.constant 7 : i32
      %parallel_loop3A_127 = vector.broadcast %parallel_loop3A_126 : i32 to vector<16xi32>
      %parallel_loop3A_128 = arith.cmpi eq, %parallel_loop3A_55, %parallel_loop3A_127 : vector<16xi32>
      %parallel_loop3A_129 = arith.select %parallel_loop3A_128, %broadcast_in_dim3A_3, %broadcast_in_dim3A_5 : vector<16xi1>, vector<16xf32>
      %parallel_loop3A_130 = arith.constant 16 : i32
      %parallel_loop3A_131 = arith.muli %parallel_loop3A_51, %parallel_loop3A_130 : i32
      %parallel_loop3A_132 = arith.constant 7 : i32
      %parallel_loop3A_133 = arith.index_cast %parallel_loop3A_132 : i32 to index
      %parallel_loop3A_134 = arith.index_cast %parallel_loop3A_131 : i32 to index
      %parallel_loop3A_135 = tpu.vector_load %arg5[%parallel_loop3A_133, %parallel_loop3A_134] {strides = array<i32>} : memref<10x1024xf32, #tpu.memory_space<vmem>>, vector<16xf32>,
      tpu.vector_store %arg5[%parallel_loop3A_133, %parallel_loop3A_134], %parallel_loop3A_129 {strides = array<i32>} : memref<10x1024xf32, #tpu.memory_space<vmem>>, vector<16xf32>,
      %parallel_loop3A_136 = arith.constant 8 : i32
      %parallel_loop3A_137 = vector.broadcast %parallel_loop3A_136 : i32 to vector<16xi32>
      %parallel_loop3A_138 = arith.cmpi eq, %parallel_loop3A_55, %parallel_loop3A_137 : vector<16xi32>
      %parallel_loop3A_139 = arith.select %parallel_loop3A_138, %broadcast_in_dim3A_3, %broadcast_in_dim3A_5 : vector<16xi1>, vector<16xf32>
      %parallel_loop3A_140 = arith.constant 16 : i32
      %parallel_loop3A_141 = arith.muli %parallel_loop3A_51, %parallel_loop3A_140 : i32
      %parallel_loop3A_142 = arith.constant 8 : i32
      %parallel_loop3A_143 = arith.index_cast %parallel_loop3A_142 : i32 to index
      %parallel_loop3A_144 = arith.index_cast %parallel_loop3A_141 : i32 to index
      %parallel_loop3A_145 = tpu.vector_load %arg5[%parallel_loop3A_143, %parallel_loop3A_144] {strides = array<i32>} : memref<10x1024xf32, #tpu.memory_space<vmem>>, vector<16xf32>,
      tpu.vector_store %arg5[%parallel_loop3A_143, %parallel_loop3A_144], %parallel_loop3A_139 {strides = array<i32>} : memref<10x1024xf32, #tpu.memory_space<vmem>>, vector<16xf32>,
      %parallel_loop3A_146 = arith.constant 9 : i32
      %parallel_loop3A_147 = vector.broadcast %parallel_loop3A_146 : i32 to vector<16xi32>
      %parallel_loop3A_148 = arith.cmpi eq, %parallel_loop3A_55, %parallel_loop3A_147 : vector<16xi32>
      %parallel_loop3A_149 = arith.select %parallel_loop3A_148, %broadcast_in_dim3A_3, %broadcast_in_dim3A_5 : vector<16xi1>, vector<16xf32>
      %parallel_loop3A_150 = arith.constant 16 : i32
      %parallel_loop3A_151 = arith.muli %parallel_loop3A_51, %parallel_loop3A_150 : i32
      %parallel_loop3A_152 = arith.constant 9 : i32
      %parallel_loop3A_153 = arith.index_cast %parallel_loop3A_152 : i32 to index
      %parallel_loop3A_154 = arith.index_cast %parallel_loop3A_151 : i32 to index
      %parallel_loop3A_155 = tpu.vector_load %arg5[%parallel_loop3A_153, %parallel_loop3A_154] {strides = array<i32>} : memref<10x1024xf32, #tpu.memory_space<vmem>>, vector<16xf32>,
      tpu.vector_store %arg5[%parallel_loop3A_153, %parallel_loop3A_154], %parallel_loop3A_149 {strides = array<i32>} : memref<10x1024xf32, #tpu.memory_space<vmem>>, vector<16xf32>,
    } {sc.loop_unroll_factor = 2 : i64, sc.parallel_access}
    %add3A_20 = arith.constant 512 : i32
    %add3A_21 = arith.addi %mul3A_2, %add3A_20 : i32
    %dma_start3A_22 = arith.constant 0 : i32
    %dma_start3A_23 = arith.constant 512 : i32
    %dma_start3A_24 = tpu.memref_slice %arg5[%dma_start3A_22, %dma_start3A_23] : memref<10x1024xf32, #tpu.memory_space<vmem>> -> memref<10x512xf32, #tpu.memory_space<vmem>>
    %dma_start3A_25 = arith.constant 0 : i32
    %dma_start3A_26 = tpu.memref_slice %arg3[%dma_start3A_25, %add3A_21] : memref<10x16384xf32, #tpu.memory_space<hbm>> -> memref<10x512xf32, #tpu.memory_space<hbm>>
    %dma_start3A_27 = arith.constant 0 : i32
    %dma_start3A_28 = tpu.memref_slice %arg3[%dma_start3A_27, %add3A_21] : memref<10x16384xf32, #tpu.memory_space<hbm>> -> memref<10x512xf32, #tpu.memory_space<hbm>>
    %dma_start3A_29 = arith.constant 0 : i32
    %dma_start3A_30 = arith.constant 512 : i32
    %dma_start3A_31 = tpu.memref_slice %arg5[%dma_start3A_29, %dma_start3A_30] : memref<10x1024xf32, #tpu.memory_space<vmem>> -> memref<10x512xf32, #tpu.memory_space<vmem>>
    tpu.enqueue_dma source(%dma_start3A_31 : memref<10x512xf32, #tpu.memory_space<vmem>>) target(%dma_start3A_28 : memref<10x512xf32, #tpu.memory_space<hbm>>) target_semaphore(%arg6 : memref<!tpu.dma_semaphore, #tpu.memory_space<semaphore_mem>>)
    %dma_wait3A = arith.constant 0 : i32
    %dma_wait3A_32 = arith.constant 0 : i32
    %dma_wait3A_33 = tpu.memref_slice %arg5[%dma_wait3A, %dma_wait3A_32] : memref<10x1024xf32, #tpu.memory_space<vmem>> -> memref<10x512xf32, #tpu.memory_space<vmem>>
    %dma_wait3A_34 = arith.constant 0 : i32
    %dma_wait3A_35 = tpu.memref_slice %arg3[%dma_wait3A_34, %mul3A_2] : memref<10x16384xf32, #tpu.memory_space<hbm>> -> memref<10x512xf32, #tpu.memory_space<hbm>>
    %dma_wait3A_36 = arith.constant 0 : i32
    %dma_wait3A_37 = tpu.memref_slice %arg3[%dma_wait3A_36, %mul3A_2] : memref<10x16384xf32, #tpu.memory_space<hbm>> -> memref<10x512xf32, #tpu.memory_space<hbm>>
    %dma_wait3A_38 = arith.constant 0 : i32
    %dma_wait3A_39 = arith.constant 0 : i32
    %dma_wait3A_40 = tpu.memref_slice %arg5[%dma_wait3A_38, %dma_wait3A_39] : memref<10x1024xf32, #tpu.memory_space<vmem>> -> memref<10x512xf32, #tpu.memory_space<vmem>>
    tpu.wait_dma2 semaphore(%arg6 : memref<!tpu.dma_semaphore, #tpu.memory_space<semaphore_mem>>) src(%dma_wait3A_40 : memref<10x512xf32, #tpu.memory_space<vmem>>) dst(%dma_wait3A_37 : memref<10x512xf32, #tpu.memory_space<hbm>>)
    %dma_wait3A_41 = arith.constant 0 : i32
    %dma_wait3A_42 = arith.constant 512 : i32
    %dma_wait3A_43 = tpu.memref_slice %arg5[%dma_wait3A_41, %dma_wait3A_42] : memref<10x1024xf32, #tpu.memory_space<vmem>> -> memref<10x512xf32, #tpu.memory_space<vmem>>
    %dma_wait3A_44 = arith.constant 0 : i32
    %dma_wait3A_45 = tpu.memref_slice %arg3[%dma_wait3A_44, %add3A_21] : memref<10x16384xf32, #tpu.memory_space<hbm>> -> memref<10x512xf32, #tpu.memory_space<hbm>>
    %dma_wait3A_46 = arith.constant 0 : i32
    %dma_wait3A_47 = tpu.memref_slice %arg3[%dma_wait3A_46, %add3A_21] : memref<10x16384xf32, #tpu.memory_space<hbm>> -> memref<10x512xf32, #tpu.memory_space<hbm>>
    %dma_wait3A_48 = arith.constant 0 : i32
    %dma_wait3A_49 = arith.constant 512 : i32
    %dma_wait3A_50 = tpu.memref_slice %arg5[%dma_wait3A_48, %dma_wait3A_49] : memref<10x1024xf32, #tpu.memory_space<vmem>> -> memref<10x512xf32, #tpu.memory_space<vmem>>
    tpu.wait_dma2 semaphore(%arg6 : memref<!tpu.dma_semaphore, #tpu.memory_space<semaphore_mem>>) src(%dma_wait3A_50 : memref<10x512xf32, #tpu.memory_space<vmem>>) dst(%dma_wait3A_47 : memref<10x512xf32, #tpu.memory_space<hbm>>)
    return
  }
}

</mosaic_0001>

<sc_bundles>
// kernel: kernel.3.cloned.1.call-start
scs
__scs_entry_jumppad:
0x0: {  	(pc) =	sbr.rel $0x88, $3  }
0x1: {  	(tag) =	ssettag $0x0;
	lr =	simm.s32 $0x1  }
0x2: {  	[smem:$0x3FA0] =	sst lr;
	_ =	strace $0xD0000000  }
0x3: {  	_ = 	snop  }
0x4: {  	_ = 	snop  }
0x5: {  	_ = 	snop  }
0x6: {  	_ = 	snop  }
0x7: {  	_ = 	snop  }
__scs_overlays_trampoline_lowered:
0x8: {  	[smem:$0x3FAF] =	sst s0  }
0x9: {  	[smem:$0x3FB0] =	sst s1  }
0xa: {  	[smem:$0x3FB1] =	sst s2  }
0xb: {  	[smem:$0x3FB2] =	sst s3  }
0xc: {  	[smem:$0x3FB3] =	sst s4  }
0xd: {  	[smem:$0x3FB4] =	sst s5  }
0xe: {  	[smem:$0x3FB5] =	sst s6  }
0xf: {  	[smem:$0x3FB6] =	sst s7  }
0x10: {  	[smem:$0x3FB7] =	sst s8  }
0x11: {  	[smem:$0x3FB8] =	sst s9;
	s0 =	simm.s32 @!p0 $0x0  }
0x12: {  	s1 =	sld [smem:$0x3F9E];
	s0 =	simm.s32 @p0 $0x1  }
0x13: {  	[smem:$0x3FB9] =	sst s0;
	s0 =	simm.s32 @!p1 $0x0  }
0x14: {  	s2 =	sld [smem:$0x3F9D];
	s0 =	simm.s32 @p1 $0x1  }
0x15: {  	[smem:$0x3FBA] =	sst s0;
	s0 =	simm.s32 @!p2 $0x0  }
0x16: {  	s3 =	sld [smem:$0x3FDB];
	s0 =	simm.s32 @p2 $0x1  }
0x17: {  	s4 =	simm.s32 $0x1BF5;
	[smem:$0x3FBC] =	sst s0  }
0x18: {  	s0 =	sld [smem:$0x3F9F];
	_ =	swait.ge [sflag:s4], $0x0  }
0x19: {  	s7 =	sld [smem:$0x3FA0]  }
0x1a: {  	s8 =	sadd.s32 $0xFFFFE003, lr  }
0x1b: {  	s9 =	sadd.s32 $0xFFFFFEF7, lr;
	s5 =	simm.s32 $0xFFFFFFFF;
	p2 =	slt.u32 s8, $0xFFFFF086  }
0x1c: {  	p1 =	slt.u32 s9, $0xF7A;
	s5 =	simm.s32 @!p2 $0x0  }
0x1d: {  	s5 =	simm.s32 @p1 $0x1;
	p0 =	seq.s32 s7, s2  }
0x1e: {  	s7 =	smul.u32 @!p0 $0xF7A, s2;
	p2 =	seq.s32 @!p0 s5, $0x0  }
0x1f: {  	s9 =	smul.u32 $0xF7A, s1;
	s8 =	simm.s32 @!p0 $0x1BF5;
	p2 =	por !p2, p0  }
0x20: {  	[sflag:s8] =	ssyncset.s32 @!p0 $0xFFFFF086;
	s6 =	sadd.s32 @!p0 s3, s7;
	s7 =	simm.s32 @!p0 $0x108  }
0x21: {  	s3 =	sadd.s32 s3, s9;
	s6 =	sadd.s32 @!p0 $0x88, s6;
	s7 =	simm.s32 @p2 $0x1082  }
0x22: {  	[simem:s7], [sflag:s8] =	dma.local @!p0 [hbm:s6], $0xF7A  }
0x23: {  	s9 =	sor.u32 $0xD0000000, s2;
	s6 =	simm.s32 $0x108;
	_ =	swait.ge @!p0 [sflag:s8], $0x0  }
0x24: {  	s3 =	sadd.s32 $0x88, s3;
	s6 =	simm.s32 @!p1 $0x1082;
	[sflag:s4] =	ssyncset.s32 $0xFFFFF086  }
0x25: {  	[simem:s6], [sflag:s4] =	dma.local [hbm:s3], $0xF7A  }
0x26: {  	[smem:$0x3FA0] =	sst s1;
	(tag) =	ssettag s2;
	_ =	strace s9  }
0x27: {  	s1 =	sld [smem:$0x3FB0]  }
0x28: {  	s2 =	sld [smem:$0x3FB1]  }
0x29: {  	s4 =	sld [smem:$0x3FB3]  }
0x2a: {  	p0 =	seq.s32 s5, $0x0;
	s5 =	sld [smem:$0x3FB4]  }
0x2b: {  	s6 =	sld [smem:$0x3FB5]  }
0x2c: {  	s7 =	sld [smem:$0x3FB6]  }
0x2d: {  	s3 =	simm.s32 $0x108;
	s8 =	sld [smem:$0x3FB7]  }
0x2e: {  	s3 =	simm.s32 @!p0 $0x1082;
	s9 =	sld [smem:$0x3FB8]  }
0x2f: {  	lr =	sadd.s32 s0, s3;
	s0 =	sld [smem:$0x3FAF]  }
0x30: {  	s3 =	sld [smem:$0x3FB2]  }
0x31: {  	[smem:$0x3FBB] =	sst s10  }
0x32: {  	s10 =	sld [smem:$0x3FB9];
	_ =	sdelay $0x3  }
0x33: {  	p0 =	seq.s32 s10, $0x1;
	s10 =	sld [smem:$0x3FBB];
	_ =	sdelay $0x3  }
0x34: {  	[smem:$0x3FBB] =	sst s10  }
0x35: {  	s10 =	sld [smem:$0x3FBA];
	_ =	sdelay $0x3  }
0x36: {  	p1 =	seq.s32 s10, $0x1;
	s10 =	sld [smem:$0x3FBB];
	_ =	sdelay $0x3  }
0x37: {  	[smem:$0x3FBB] =	sst s10  }
0x38: {  	s10 =	sld [smem:$0x3FBC]  }
0x39: {  	_ = 	snop;
	(pc) =	sbr.ind lr, $3  }
0x3a: {  	_ = 	snop  }
0x3b: {  	_ = 	snop  }
0x3c: {  	p2 =	seq.s32 s10, $0x1;
	s10 =	sld [smem:$0x3FBB]  }
0x3d: {  	_ =	shalt  }
0x3e: {  	_ =	shalt  }
0x3f: {  	_ =	shalt  }
0x40: {  	_ =	shalt  }
0x41: {  	_ =	shalt  }
0x42: {  	_ =	shalt  }
0x43: {  	_ =	shalt  }
0x44: {  	_ =	shalt  }
0x45: {  	_ =	shalt  }
0x46: {  	_ =	shalt  }
0x47: {  	_ =	shalt  }
0x48: {  	_ =	shalt  }
0x49: {  	_ =	shalt  }
0x4a: {  	_ =	shalt  }
0x4b: {  	_ =	shalt  }
0x4c: {  	_ =	shalt  }
0x4d: {  	_ =	shalt  }
0x4e: {  	_ =	shalt  }
0x4f: {  	_ =	shalt  }
0x50: {  	_ =	shalt  }
0x51: {  	_ =	shalt  }
0x52: {  	_ =	shalt  }
0x53: {  	_ =	shalt  }
0x54: {  	_ =	shalt  }
0x55: {  	_ =	shalt  }
0x56: {  	_ =	shalt  }
0x57: {  	_ =	shalt  }
0x58: {  	_ =	shalt  }
0x59: {  	_ =	shalt  }
0x5a: {  	_ =	shalt  }
0x5b: {  	_ =	shalt  }
0x5c: {  	_ =	shalt  }
0x5d: {  	_ =	shalt  }
0x5e: {  	_ =	shalt  }
0x5f: {  	_ =	shalt  }
0x60: {  	_ =	shalt  }
0x61: {  	_ =	shalt  }
0x62: {  	_ =	shalt  }
0x63: {  	_ =	shalt  }
0x64: {  	_ =	shalt  }
0x65: {  	_ =	shalt  }
0x66: {  	_ =	shalt  }
0x67: {  	_ =	shalt  }
0x68: {  	_ =	shalt  }
0x69: {  	_ =	shalt  }
0x6a: {  	_ =	shalt  }
0x6b: {  	_ =	shalt  }
0x6c: {  	_ =	shalt  }
0x6d: {  	_ =	shalt  }
0x6e: {  	_ =	shalt  }
0x6f: {  	_ =	shalt  }
0x70: {  	_ =	shalt  }
0x71: {  	_ =	shalt  }
0x72: {  	_ =	shalt  }
0x73: {  	_ =	shalt  }
0x74: {  	_ =	shalt  }
0x75: {  	_ =	shalt  }
0x76: {  	_ =	shalt  }
0x77: {  	_ =	shalt  }
0x78: {  	_ =	shalt  }
0x79: {  	_ =	shalt  }
0x7a: {  	_ =	shalt  }
0x7b: {  	_ =	shalt  }
0x7c: {  	_ =	shalt  }
0x7d: {  	_ =	shalt  }
0x7e: {  	_ =	shalt  }
0x7f: {  	_ =	shalt  }
0x80: {  	_ =	shalt  }
0x81: {  	_ =	shalt  }
0x82: {  	_ =	shalt  }
0x83: {  	_ =	shalt  }
0x84: {  	_ =	shalt  }
0x85: {  	_ =	shalt  }
0x86: {  	_ =	shalt  }
0x87: {  	_ =	shalt  }
.Lfunc_end0:
.L_simem_size_0:
called_computation_lowered:
.L_overlay_start_0:
0x88: {  	s0 =	sld [smem:$0x3FD9]  }
0x89: {  	s1 =	sld [smem:$0x3FFE];
	_ =	sdelay $0x3  }
0x8a: {  	s0 =	sadd.s32 s1, s0  }
0x8b: {  	[smem:$0x3FC7] =	sst s0  }
0x8c: {  	_ = 	snop  }
0x8d: {  	s0 =	sld [smem:$0x3FC9]  }
0x8e: {  	s17 =	sld [smem:$0x3FD0];
	(tm) =	ssettm $0x1  }
0x8f: {  	s2 =	sld [smem:$0x3FFB];
	_ =	sdelay $0x3  }
0x90: {  	_ =	strace s2  }
0x91: {  	s2 =	sld [smem:$0x3FFC];
	_ =	sdelay $0x3  }
0x92: {  	_ =	strace s2  }
0x93: {  	s2 =	sld [smem:$0x3FFD];
	_ =	sdelay $0x3  }
0x94: {  	_ =	strace s2  }
0x95: {  	_ =	strace $0x8FFFFFFF  }
0x96: {  	s18 =	sld [smem:$0x3FDB];
	_ =	sdelay $0x1  }
0x97: {  	s3 =	simm.s32 $_scs_section_size  }
0x98: {  	s4 =	simm.s32 $_size__tile_overlayer_lowered;
	s5 =	simm.s32 $_tile_overlayer_lowered  }
0x99: {  	s21 =	simm.s32 $0x1BFF;
	s20 =	sshll.u32 s5, $0x1;
	s2 =	sadd.s32 s3, s18  }
0x9a: {  	s6 =	simm.s32 $0x0;
	s19 =	sshll.u32 s4, $0x1;
	s4 =	sadd.s32 s20, s2  }
0x9b: {  	[timem:s6], [sflag:s21] =	dma.local [hbm:s4], s19  }
0x9c: {  	_ =	swait.ge [sflag:s21], s19  }
0x9d: {  	s3 =	ssub.s32 $0x0, s19;
	[sflag:s21] =	ssyncset.done $0x0  }
0x9e: {  	[sflag:s21] =	ssyncadd.s32 s3;
	_ =	sdelay $0x1  }
0x9f: {  	s22 =	simm.s32 $0x1B8B  }
0xa0: {  	_ =	swait.ge [sflag:s22], $0x1  }
0xa1: {  	[sflag:s22] =	ssyncset.done $0x0  }
0xa2: {  	s23 =	simm.s32 $0x1B8E;
	[sflag:s22] =	ssyncadd.s32 $0xFFFFFFFF  }
0xa3: {  	s24 =	simm.s32 $execute0_lowered;
	[smem:$0x3FD2] =	sst s23  }
0xa4: {  	s3 =	sshll.u32 s24, $0x1;
	_ =	strace $0x80000046;
	[dreg:$0x1] =	wrdreg $0xFFFFFFFF  }
0xa5: {  	s25 =	simm.s32 $_size_execute0_lowered;
	s2 =	sadd.s32 s2, s3;
	[dreg:$0x0] =	wrdreg $0x0  }
0xa6: {  	s3 =	sshll.u32 s25, $0x1;
	[dreg:$0x2] =	wrdreg s2  }
0xa7: {  	[dreg:$0x3] =	wrdreg s3  }
0xa8: {  	[dreg:$0x4] =	wrdreg $0xC0  }
0xa9: {  	_ =	task [dreg:s6], $0x5FFFF  }
0xaa: {  	[dreg:$0x1] =	wrdreg $0xFFFFFFFF  }
0xab: {  	[dreg:$0x0] =	wrdreg $0x60  }
0xac: {  	[dreg:$0x2] =	wrdreg s0  }
0xad: {  	[dreg:$0x3] =	wrdreg s17  }
0xae: {  	[dreg:$0x4] =	wrdreg $0x9  }
0xaf: {  	_ =	task.clear_ibuf [dreg:s6], $0x5FFFF;
	_ =	strace $0x90000046  }
0xb0: {  	s26 =	simm.s32 $0x9;
	_ =	strace $0x80000048  }
0xb1: {  	_ =	swait.ge [sflag:s26], $0x1  }
0xb2: {  	[sflag:s26] =	ssyncadd.s32 $0xFFFFFFFF  }
0xb3: {  	_ =	strace $0x90000048  }
0xb4: {  	_ =	sfence  }
0xb5: {  	s28 =	sld [smem:$0x0];
	_ =	sdelay $0x1  }
0xb6: {  	s29 =	srdreg.scid  }
0xb7: {  	s30 =	sshll.u32 s29, $0xD;
	s31 =	sshrl.u32 s29, $0x2  }
0xb8: {  	s1 =	sand.u32 $0x1, s29;
	s2 =	sand.u32 $0x4000, s30;
	s0 =	sadd.s32 s31, s28  }
0xb9: {  	s1 =	sor.u32 s2, s1;
	s0 =	sshll.u32 s0, $0x11  }
0xba: {  	s0 =	sor.u32 s0, s1  }
0xbb: {  	s0 =	sadd.s32 $0x8F2B, s0  }
0xbc: {  	[sflag:s0] =	ssyncadd.remote.s32 $0x1  }
0xbd: {  	_ =	sfence.sel $0xFFFF  }
0xbe: {  	[dreg:$0x0] =	wrdreg $0xFFFFFFFF;
	(pc) =	sbr.abs _section_cstart, $3  }
0xbf: {  	[dreg:$0x1] =	wrdreg $0xFFFFFFFF  }
0xc0: {  	_ =	task.clear_ibuf [dreg:s6], $0x2FFFF;
	_ =	strace $0x9FFFFFFF  }
0xc1: {  	(tm) =	ssettm $0x7FFFFFFF  }
tec
execute0_lowered:
.L_overlay_start_1:
0x0: {  	(tag) =	ssettag $0x1  }
0x1: {  	s4 =	rddreg [dreg:$0x0]  }
0x2: {  	s2 =	rddreg [dreg:$0x1]  }
0x3: {  	s0 =	rddreg [dreg:$0x2];
	s3 =	simm.s32 $0x0;
	s1 =	stileid.u32  }
0x4: {  	[smem:$0x7FF] =	sst s3;
	s5 =	sshll.u32 s1, $0x7  }
0x5: {  	s23 =	simm.s32 $0x2;
	_ =	strace $0x80000047;
	s4 =	sadd.s32 s4, s5  }
0x6: {  	[tilespmem:s3], [sflag:$0x2] =	stream.linear.gather [hbm4b:s4+s3], $0x400, $0x38;
	[tilespmem:$0x4400] =	vst v63  }
0x7: {  	s7 =	sand.u32 $0x60, s3;
	_ =	swait.ge [sflag:s23], $0x400  }
0x8: {  	s24 =	sand.u32 $0x180, s3;
	s8 =	sor.u32 $0x10, s7;
	[sflag:s23] =	ssyncset.done $0x0  }
0x9: {  	s25 =	sor.u32 s8, s24;
	[sflag:s23] =	ssyncadd.s32 $0xFFFFFC00  }
0xa: {  	v2 =	vld [tilespmem:s25+$0x0];
	_ =	sdelay $0x3  }
0xb: {  	s9 =	sand.u32 $0xC00, s3  }
0xc: {  	v0 =	vimm.f32 $0.0e+00;
	s26 =	sadd.s32 $0x400, s9;
	vm0 =	veq.s32 v2, $0x0  }
0xd: {  	s6 =	sor.u32 s8, s26;
	v1 =	vsel vm0, $0x3F800000, v0;
	vm0 =	veq.s32 v2, $0x1  }
0xe: {  	[tilespmem:s6+$0x0] =	vst v1;
	v1 =	vsel vm0, $0x3F800000, v0;
	vm0 =	veq.s32 v2, $0x2  }
0xf: {  	s28 =	sand.u32 $0x3, s3;
	[tilespmem:s6+$0x80] =	vst v1;
	v1 =	vsel vm0, $0x3F800000, v0;
	vm0 =	veq.s32 v2, $0x3  }
0x10: {  	s4 =	sshll.u32 s28, $0x5;
	[tilespmem:s6+$0x100] =	vst v1;
	v3 =	vsel vm0, $0x3F800000, v0;
	vm0 =	veq.s32 v2, $0x4  }
0x11: {  	s10 =	sadd.s32 $0x0, s4;
	v1 =	vld [tilespmem:s3+$0x0];
	[tilespmem:s6+$0x180] =	vst v3;
	v3 =	vsel vm0, $0x3F800000, v0;
	vm0 =	veq.s32 v2, $0x5  }
0x12: {  	s29 =	sor.u32 s3, s3;
	s11 =	sadd.s32 $0x10, s10;
	[tilespmem:s6+$0x200] =	vst v3;
	v3 =	vsel vm0, $0x3F800000, v0;
	vm0 =	veq.s32 v2, $0x6  }
0x13: {  	s13 =	sadd.s32 $0x2400, s9;
	s9 =	sadd.s32 $0x2480, s9;
	s12 =	sor.u32 $0x300, s11;
	[tilespmem:s6+$0x280] =	vst v3;
	v3 =	vsel vm0, $0x3F800000, v0;
	vm0 =	veq.s32 v2, $0x7  }
0x14: {  	s5 =	sor.u32 s7, s26;
	s30 =	sor.u32 s8, s13;
	s11 =	sor.u32 $0x380, s11;
	[tilespmem:s12+$0x400] =	vst v3;
	v3 =	vsel vm0, $0x3F800000, v0;
	vm0 =	veq.s32 v2, $0x8  }
0x15: {  	s13 =	sor.u32 s7, s13;
	s31 =	sor.u32 s8, s9;
	s8 =	simm.s32 $0x0;
	[tilespmem:s11+$0x400] =	vst v3;
	v3 =	vsel vm0, $0x3F800000, v0;
	vm0 =	veq.s32 v2, $0x9  }
0x16: {  	s4 =	sor.u32 $0x380, s29;
	s10 =	sor.u32 $0x300, s10;
	s6 =	simm.s32 $0x0;
	vm1 =	veq.s32 v1, $0x0;
	[tilespmem:s30+$0x0] =	vst v3;
	v3 =	vsel vm0, $0x3F800000, v0  }
0x17: {  	s11 =	sor.u32 s7, s9;
	s7 =	simm.s32 $0x20;
	s9 =	simm.s32 $0x0;
	v2 =	vsel vm1, $0x3F800000, v0;
	vm0 =	veq.s32 v1, $0x1;
	[tilespmem:s31+$0x0] =	vst v3  }
.LBB2_1:
0x18: {  	s12 =	sand.u32 $0x60, s7;
	[tilespmem:s5+$0x0] =	vst v2;
	v2 =	vsel vm0, $0x3F800000, v0;
	vm0 =	veq.s32 v1, $0x2  }
0x19: {  	s15 =	sand.u32 $0x180, s7;
	s14 =	sor.u32 $0x10, s12;
	[tilespmem:s5+$0x80] =	vst v2;
	v2 =	vsel vm0, $0x3F800000, v0;
	vm0 =	veq.s32 v1, $0x3  }
0x1a: {  	s15 =	sor.u32 s14, s15;
	[tilespmem:s5+$0x100] =	vst v2;
	v2 =	vsel vm0, $0x3F800000, v0;
	vm0 =	veq.s32 v1, $0x4  }
0x1b: {  	v3 =	vld [tilespmem:s15+$0x0];
	[tilespmem:s5+$0x180] =	vst v2;
	v2 =	vsel vm0, $0x3F800000, v0;
	vm0 =	veq.s32 v1, $0x5  }
0x1c: {  	[tilespmem:s5+$0x200] =	vst v2;
	v2 =	vsel vm0, $0x3F800000, v0;
	vm0 =	veq.s32 v1, $0x6  }
0x1d: {  	[tilespmem:s5+$0x280] =	vst v2;
	v2 =	vsel vm0, $0x3F800000, v0;
	vm0 =	veq.s32 v1, $0x7  }
0x1e: {  	s3 =	sadd.s32 $0x100, s3;
	[tilespmem:s10+$0x400] =	vst v2;
	v2 =	vsel vm0, $0x3F800000, v0;
	vm0 =	veq.s32 v1, $0x8  }
0x1f: {  	s15 =	sand.u32 $0xC00, s3;
	s5 =	sor.u32 s3, s7;
	[tilespmem:s4+$0x400] =	vst v2;
	v2 =	vsel vm0, $0x3F800000, v0;
	vm0 =	veq.s32 v1, $0x9  }
0x20: {  	s10 =	sadd.s32 $0x400, s15;
	s4 =	sor.u32 $0x380, s5;
	vm1 =	veq.s32 v3, $0x0;
	[tilespmem:s13+$0x0] =	vst v2;
	v1 =	vsel vm0, $0x3F800000, v0  }
0x21: {  	s6 =	sadd.s32 $0x2, s6;
	s5 =	sor.u32 s12, s10;
	s13 =	sor.u32 s14, s10;
	vm0 =	veq.s32 v3, $0x1;
	v2 =	vsel vm1, $0x3F800000, v0;
	[tilespmem:s11+$0x0] =	vst v1  }
0x22: {  	s8 =	sadd.s32 $0x1, s8;
	p0 =	slt.u32 s6, $0x1E;
	v1 =	vsel vm0, $0x3F800000, v0;
	vm0 =	veq.s32 v3, $0x2;
	[tilespmem:s13+$0x0] =	vst v2  }
0x23: {  	s10 =	sand.u32 $0x3, s8;
	[tilespmem:s13+$0x80] =	vst v1;
	v1 =	vsel vm0, $0x3F800000, v0;
	vm0 =	veq.s32 v3, $0x3  }
0x24: {  	s9 =	sadd.s32 $0x20, s9;
	s10 =	sshll.u32 s10, $0x5;
	[tilespmem:s13+$0x100] =	vst v1;
	v2 =	vsel vm0, $0x3F800000, v0;
	vm0 =	veq.s32 v3, $0x4  }
0x25: {  	s11 =	sadd.s32 s10, s3;
	v1 =	vld [tilespmem:s9+$0x0];
	[tilespmem:s13+$0x180] =	vst v2;
	v2 =	vsel vm0, $0x3F800000, v0;
	vm0 =	veq.s32 v3, $0x5  }
0x26: {  	s10 =	sor.u32 $0x300, s11;
	s11 =	sadd.s32 $0x10, s11;
	[tilespmem:s13+$0x200] =	vst v2;
	v2 =	vsel vm0, $0x3F800000, v0;
	vm0 =	veq.s32 v3, $0x6  }
.Ltmp0:
0x27: {  	[tilespmem:s13+$0x280] =	vst v2;
	v2 =	vsel vm0, $0x3F800000, v0;
	s13 =	sor.u32 $0x300, s11;
	vm0 =	veq.s32 v3, $0x7;
	(pc) =	sbr.rel @p0 .LBB2_1-.Ltmp0, $4  }
0x28: {  	s16 =	sadd.s32 $0x2400, s15;
	s11 =	sor.u32 $0x380, s11;
	[tilespmem:s13+$0x400] =	vst v2;
	v2 =	vsel vm0, $0x3F800000, v0;
	vm0 =	veq.s32 v3, $0x8  }
0x29: {  	s15 =	sadd.s32 $0x2480, s15;
	s13 =	sor.u32 s12, s16;
	s16 =	sor.u32 s14, s16;
	[tilespmem:s11+$0x400] =	vst v2;
	v2 =	vsel vm0, $0x3F800000, v0;
	vm0 =	veq.s32 v3, $0x9  }
0x2a: {  	s11 =	sor.u32 s12, s15;
	s12 =	sor.u32 s14, s15;
	vm1 =	veq.s32 v1, $0x0;
	[tilespmem:s16+$0x0] =	vst v2;
	v3 =	vsel vm0, $0x3F800000, v0  }
0x2b: {  	s7 =	sadd.s32 $0x20, s7;
	vm0 =	veq.s32 v1, $0x1;
	v2 =	vsel vm1, $0x3F800000, v0;
	[tilespmem:s12+$0x0] =	vst v3  }
0x2c: {  	[tilespmem:s5+$0x0] =	vst v2;
	v2 =	vsel vm0, $0x3F800000, v0;
	vm0 =	veq.s32 v1, $0x2  }
0x2d: {  	[tilespmem:s5+$0x80] =	vst v2;
	v2 =	vsel vm0, $0x3F800000, v0;
	vm0 =	veq.s32 v1, $0x3  }
0x2e: {  	[tilespmem:s5+$0x100] =	vst v2;
	v2 =	vsel vm0, $0x3F800000, v0;
	vm0 =	veq.s32 v1, $0x4  }
0x2f: {  	[tilespmem:s5+$0x180] =	vst v2;
	v2 =	vsel vm0, $0x3F800000, v0;
	vm0 =	veq.s32 v1, $0x5  }
0x30: {  	[tilespmem:s5+$0x200] =	vst v2;
	v2 =	vsel vm0, $0x3F800000, v0;
	vm0 =	veq.s32 v1, $0x6  }
0x31: {  	[tilespmem:s5+$0x280] =	vst v2;
	v2 =	vsel vm0, $0x3F800000, v0;
	vm0 =	veq.s32 v1, $0x7  }
0x32: {  	[tilespmem:s10+$0x400] =	vst v2;
	v2 =	vsel vm0, $0x3F800000, v0;
	vm0 =	veq.s32 v1, $0x8  }
0x33: {  	[tilespmem:s4+$0x400] =	vst v2;
	v2 =	vsel vm0, $0x3F800000, v0;
	vm0 =	veq.s32 v1, $0x9  }
0x34: {  	s3 =	sshll.u32 s1, $0xA;
	[tilespmem:s13+$0x0] =	vst v2;
	v0 =	vsel vm0, $0x3F800000, v0  }
0x35: {  	s6 =	simm.s32 $0x400;
	s23 =	sadd.s32 s2, s3;
	s4 =	simm.s32 $0x0;
	[tilespmem:s11+$0x0] =	vst v0  }
0x36: {  	[hbm4b:s23+s4] =	stream.linear.scatter [tilespmem:s6], [sflag:$0x1], $0x1000, $0x38;
	[tilespmem:$0x4400] =	vst v63  }
0x37: {  	s24 =	simm.s32 $0x2400;
	s5 =	sadd.s32 $0x4000, s23  }
0x38: {  	[hbm4b:s5+s4] =	stream.linear.scatter [tilespmem:s24], [sflag:$0x1], $0x1000, $0x38;
	[tilespmem:$0x4400] =	vst v63  }
0x39: {  	s5 =	simm.s32 $0x200  }
0x3a: {  	s25 =	sand.u32 $0x60, s5  }
0x3b: {  	s28 =	sand.u32 $0x380, s5;
	s26 =	sor.u32 $0x10, s25  }
0x3c: {  	s6 =	sor.u32 s26, s28  }
0x3d: {  	v2 =	vld [tilespmem:s6+$0x0];
	_ =	sdelay $0x2  }
0x3e: {  	s6 =	simm.s32 $0x1000  }
0x3f: {  	s9 =	sand.u32 $0x1C00, s6  }
0x40: {  	v0 =	vimm.f32 $0.0e+00;
	s8 =	sadd.s32 $0x400, s9;
	vm0 =	veq.s32 v2, $0x0  }
0x41: {  	s7 =	sor.u32 s26, s8;
	v1 =	vsel vm0, $0x3F800000, v0;
	vm0 =	veq.s32 v2, $0x1  }
0x42: {  	[tilespmem:s7+$0x0] =	vst v1;
	v1 =	vsel vm0, $0x3F800000, v0;
	vm0 =	veq.s32 v2, $0x2  }
0x43: {  	s12 =	sand.u32 $0x3, s4;
	[tilespmem:s7+$0x80] =	vst v1;
	v1 =	vsel vm0, $0x3F800000, v0;
	vm0 =	veq.s32 v2, $0x3  }
0x44: {  	s12 =	sshll.u32 s12, $0x5;
	[tilespmem:s7+$0x100] =	vst v1;
	v3 =	vsel vm0, $0x3F800000, v0;
	vm0 =	veq.s32 v2, $0x4  }
0x45: {  	s12 =	sadd.s32 $0x1000, s12;
	v1 =	vld [tilespmem:s5+$0x0];
	[tilespmem:s7+$0x180] =	vst v3;
	v3 =	vsel vm0, $0x3F800000, v0;
	vm0 =	veq.s32 v2, $0x5  }
0x46: {  	s29 =	sadd.s32 $0x10, s12;
	[tilespmem:s7+$0x200] =	vst v3;
	v3 =	vsel vm0, $0x3F800000, v0;
	vm0 =	veq.s32 v2, $0x6  }
0x47: {  	s10 =	simm.s32 $0x220;
	s15 =	sor.u32 $0x300, s29;
	[tilespmem:s7+$0x280] =	vst v3;
	v3 =	vsel vm0, $0x3F800000, v0;
	vm0 =	veq.s32 v2, $0x7  }
0x48: {  	s13 =	sor.u32 $0x380, s29;
	s14 =	sor.u32 s6, s5;
	s30 =	sadd.s32 $0x2400, s9;
	[tilespmem:s15+$0x400] =	vst v3;
	v3 =	vsel vm0, $0x3F800000, v0;
	vm0 =	veq.s32 v2, $0x8  }
0x49: {  	s16 =	sadd.s32 $0x2480, s9;
	s9 =	simm.s32 $0x20;
	s31 =	sor.u32 s26, s30;
	[tilespmem:s13+$0x400] =	vst v3;
	v3 =	vsel vm0, $0x3F800000, v0;
	vm0 =	veq.s32 v2, $0x9  }
0x4a: {  	s8 =	sor.u32 s25, s8;
	s11 =	sor.u32 s26, s16;
	s7 =	sor.u32 $0x380, s14;
	vm1 =	veq.s32 v1, $0x0;
	[tilespmem:s31+$0x0] =	vst v3;
	v3 =	vsel vm0, $0x3F800000, v0  }
0x4b: {  	s14 =	sor.u32 s25, s16;
	s15 =	sor.u32 s25, s30;
	s13 =	sor.u32 $0x300, s12;
	v2 =	vsel vm1, $0x3F800000, v0;
	vm0 =	veq.s32 v1, $0x1;
	[tilespmem:s11+$0x0] =	vst v3  }
.LBB2_3:
0x4c: {  	s11 =	sand.u32 $0x60, s10;
	[tilespmem:s8+$0x0] =	vst v2;
	v2 =	vsel vm0, $0x3F800000, v0;
	vm0 =	veq.s32 v1, $0x2  }
0x4d: {  	s16 =	sand.u32 $0x380, s10;
	s12 =	sor.u32 $0x10, s11;
	[tilespmem:s8+$0x80] =	vst v2;
	v2 =	vsel vm0, $0x3F800000, v0;
	vm0 =	veq.s32 v1, $0x3  }
0x4e: {  	s16 =	sor.u32 s12, s16;
	[tilespmem:s8+$0x100] =	vst v2;
	v2 =	vsel vm0, $0x3F800000, v0;
	vm0 =	veq.s32 v1, $0x4  }
0x4f: {  	v3 =	vld [tilespmem:s16+$0x0];
	[tilespmem:s8+$0x180] =	vst v2;
	v2 =	vsel vm0, $0x3F800000, v0;
	vm0 =	veq.s32 v1, $0x5  }
0x50: {  	[tilespmem:s8+$0x200] =	vst v2;
	v2 =	vsel vm0, $0x3F800000, v0;
	vm0 =	veq.s32 v1, $0x6  }
0x51: {  	[tilespmem:s8+$0x280] =	vst v2;
	v2 =	vsel vm0, $0x3F800000, v0;
	vm0 =	veq.s32 v1, $0x7  }
0x52: {  	s6 =	sadd.s32 $0x100, s6;
	[tilespmem:s13+$0x400] =	vst v2;
	v2 =	vsel vm0, $0x3F800000, v0;
	vm0 =	veq.s32 v1, $0x8  }
0x53: {  	s16 =	sand.u32 $0x1C00, s6;
	s8 =	sor.u32 s6, s10;
	[tilespmem:s7+$0x400] =	vst v2;
	v2 =	vsel vm0, $0x3F800000, v0;
	vm0 =	veq.s32 v1, $0x9  }
0x54: {  	s13 =	sadd.s32 $0x400, s16;
	s7 =	sor.u32 $0x380, s8;
	vm1 =	veq.s32 v3, $0x0;
	[tilespmem:s15+$0x0] =	vst v2;
	v1 =	vsel vm0, $0x3F800000, v0  }
0x55: {  	s9 =	sadd.s32 $0x2, s9;
	s8 =	sor.u32 s11, s13;
	s15 =	sor.u32 s12, s13;
	vm0 =	veq.s32 v3, $0x1;
	v2 =	vsel vm1, $0x3F800000, v0;
	[tilespmem:s14+$0x0] =	vst v1  }
0x56: {  	s4 =	sadd.s32 $0x1, s4;
	p0 =	slt.u32 s9, $0x3E;
	v1 =	vsel vm0, $0x3F800000, v0;
	vm0 =	veq.s32 v3, $0x2;
	[tilespmem:s15+$0x0] =	vst v2  }
0x57: {  	s13 =	sand.u32 $0x3, s4;
	[tilespmem:s15+$0x80] =	vst v1;
	v1 =	vsel vm0, $0x3F800000, v0;
	vm0 =	veq.s32 v3, $0x3  }
0x58: {  	s5 =	sadd.s32 $0x20, s5;
	s13 =	sshll.u32 s13, $0x5;
	[tilespmem:s15+$0x100] =	vst v1;
	v2 =	vsel vm0, $0x3F800000, v0;
	vm0 =	veq.s32 v3, $0x4  }
0x59: {  	s14 =	sadd.s32 s13, s6;
	v1 =	vld [tilespmem:s5+$0x0];
	[tilespmem:s15+$0x180] =	vst v2;
	v2 =	vsel vm0, $0x3F800000, v0;
	vm0 =	veq.s32 v3, $0x5  }
0x5a: {  	s13 =	sor.u32 $0x300, s14;
	s14 =	sadd.s32 $0x10, s14;
	[tilespmem:s15+$0x200] =	vst v2;
	v2 =	vsel vm0, $0x3F800000, v0;
	vm0 =	veq.s32 v3, $0x6  }
.Ltmp1:
0x5b: {  	[tilespmem:s15+$0x280] =	vst v2;
	v2 =	vsel vm0, $0x3F800000, v0;
	s15 =	sor.u32 $0x300, s14;
	vm0 =	veq.s32 v3, $0x7;
	(pc) =	sbr.rel @p0 .LBB2_3-.Ltmp1, $4  }
0x5c: {  	s17 =	sadd.s32 $0x2400, s16;
	s14 =	sor.u32 $0x380, s14;
	[tilespmem:s15+$0x400] =	vst v2;
	v2 =	vsel vm0, $0x3F800000, v0;
	vm0 =	veq.s32 v3, $0x8  }
0x5d: {  	s16 =	sadd.s32 $0x2480, s16;
	s15 =	sor.u32 s11, s17;
	s17 =	sor.u32 s12, s17;
	[tilespmem:s14+$0x400] =	vst v2;
	v2 =	vsel vm0, $0x3F800000, v0;
	vm0 =	veq.s32 v3, $0x9  }
0x5e: {  	s14 =	sor.u32 s11, s16;
	s11 =	sor.u32 s12, s16;
	vm1 =	veq.s32 v1, $0x0;
	[tilespmem:s17+$0x0] =	vst v2;
	v3 =	vsel vm0, $0x3F800000, v0  }
0x5f: {  	s10 =	sadd.s32 $0x20, s10;
	vm0 =	veq.s32 v1, $0x1;
	v2 =	vsel vm1, $0x3F800000, v0;
	[tilespmem:s11+$0x0] =	vst v3  }
0x60: {  	[tilespmem:s8+$0x0] =	vst v2;
	v55 =	vsel vm0, $0x3F800000, v0;
	vm8 =	veq.s32 v1, $0x2  }
0x61: {  	vm9 =	veq.s32 v1, $0x3;
	[tilespmem:s8+$0x80] =	vst v55;
	v56 =	vsel vm8, $0x3F800000, v0  }
0x62: {  	vm10 =	veq.s32 v1, $0x4;
	v57 =	vsel vm9, $0x3F800000, v0;
	[tilespmem:s8+$0x100] =	vst v56  }
0x63: {  	vm11 =	veq.s32 v1, $0x5;
	v58 =	vsel vm10, $0x3F800000, v0;
	[tilespmem:s8+$0x180] =	vst v57  }
0x64: {  	vm12 =	veq.s32 v1, $0x6;
	v59 =	vsel vm11, $0x3F800000, v0;
	[tilespmem:s8+$0x200] =	vst v58  }
0x65: {  	vm13 =	veq.s32 v1, $0x7;
	v60 =	vsel vm12, $0x3F800000, v0;
	[tilespmem:s8+$0x280] =	vst v59  }
0x66: {  	vm14 =	veq.s32 v1, $0x8;
	v61 =	vsel vm13, $0x3F800000, v0;
	[tilespmem:s13+$0x400] =	vst v60  }
0x67: {  	vm15 =	veq.s32 v1, $0x9;
	v62 =	vsel vm14, $0x3F800000, v0;
	[tilespmem:s7+$0x400] =	vst v61  }
0x68: {  	s2 =	sadd.s32 s3, s2;
	v63 =	vsel vm15, $0x3F800000, v0;
	[tilespmem:s15+$0x0] =	vst v62  }
0x69: {  	s4 =	simm.s32 $0x0;
	s5 =	simm.s32 $0x1400;
	s3 =	sadd.s32 $0x200, s2;
	[tilespmem:s14+$0x0] =	vst v63  }
0x6a: {  	[hbm4b:s3+s4] =	stream.linear.scatter [tilespmem:s5], [sflag:$0x1], $0x1000, $0x38;
	[tilespmem:$0x4400] =	vst v63  }
0x6b: {  	s30 =	simm.s32 $0x3400;
	s31 =	simm.s32 $0x1;
	s2 =	sadd.s32 $0x4200, s2  }
0x6c: {  	[hbm4b:s2+s4] =	stream.linear.scatter [tilespmem:s30], [sflag:$0x1], $0x1000, $0x38;
	[tilespmem:$0x4400] =	vst v63  }
0x6d: {  	_ =	swait.ge [sflag:s31], $0x2000  }
0x6e: {  	[sflag:s31] =	ssyncset.done $0x0  }
0x6f: {  	[sflag:s31] =	ssyncadd.s32 $0xFFFFE000  }
0x70: {  	_ =	swait.ge [sflag:s31], $0x2000  }
0x71: {  	[sflag:s31] =	ssyncset.done $0x0  }
0x72: {  	[sflag:s31] =	ssyncadd.s32 $0xFFFFE000  }
0x73: {  	_ =	sfence.sel $0x180000  }
0x74: {  	[bflag:$0x0] =	sbarrier.arrive $0xFFFF  }
0x75: {  	p0 =	sne.s32 s1, $0x0;
	_ =	strace $0x90000047  }
0x76: {  	s0 =	sadd.s32 @!p0 $0x100000, s0;
	[bflag:$0x2] =	sbarrier.arrive $0xFFFF  }
0x77: {  	[sflag:s0] =	ssyncadd.tile.s32 @!p0 $0x1;
	_ =	shalt  }
.Lfunc_end2:
_tile_overlayer_lowered:
.L_overlay_start_2:
0x78: {  	(tag) =	ssettag $0x2  }
0x79: {  	s0 =	rddreg [dreg:$0x0];
	s2 =	stileid.u32  }
0x7a: {  	s1 =	rddreg [dreg:$0x1];
	p0 =	sne.s32 s2, $0x0  }
0x7b: {  	s3 =	rddreg [dreg:$0x2];
	[bflag:$0x3] =	sbarrier.arrive $0xFFFF;
	s2 =	simm.s32 @!p0 $0x1C02  }
0x7c: {  	[timem:s3], [sflag:s2] =	dma.local @!p0 [hbm:s0], s1  }
0x7d: {  	s0 =	simm.s32 @!p0 $0x2  }
0x7e: {  	_ =	swait.ge @!p0 [sflag:s0], s1  }
0x7f: {  	s1 =	ssub.s32 @!p0 $0x0, s1;
	[sflag:s0] =	ssyncset.done @!p0 $0x0  }
0x80: {  	[sflag:s0] =	ssyncadd.s32 @!p0 s1  }
0x81: {  	[bflag:$0x3] =	sbarrier.arrive $0xFFFF  }
0x82: {  	_ =	shalt  }

</sc_bundles>
